<compile_context>
chip_gen: v7x
topology: tpu7x:2x2x1
jax: 0.10.2.dev20260603
libtpu: 0.0.44.dev20260713+nightly
codegen_flags: <defaults>
</compile_context>

<pallas_src>
import functools

import jax
import jax.numpy as jnp
from jax import lax
from jax.experimental import pallas as pl
from jax.experimental.pallas import tpu as pltpu
from jax.experimental.pallas import tpu_sc as plsc

_N = 4096
_L = 16
_NCHUNKS = _N // _L
_NPAIRS = _N * (_N - 1) // 2 + _N * _N


_UNROLL = 4


def _loss_body(p_hbm, t_hbm, out_hbm, p_v, t_v, out_v, sem):
    c = lax.axis_index("c")
    s = lax.axis_index("s")

    @pl.when(jnp.logical_and(c == 0, s == 0))
    def _():
        cp_p = pltpu.async_copy(p_hbm, p_v, sem)
        cp_t = pltpu.async_copy(t_hbm, t_v, sem)
        cp_p.wait()
        cp_t.wait()

        def step(i, carry):
            acc = list(carry)
            base = i * (_UNROLL * _L)
            for u in range(_UNROLL):
                sl = pl.ds(base + u * _L, _L)
                d = p_v[sl] - t_v[sl]
                acc[2 * u] = acc[2 * u] + d
                acc[2 * u + 1] = acc[2 * u + 1] + d * d
            return tuple(acc)

        zeros = jnp.zeros((_L,), jnp.float32)
        acc = lax.fori_loop(
            0, _NCHUNKS // _UNROLL, step, (zeros,) * (2 * _UNROLL)
        )
        s1 = acc[0] + acc[2] + acc[4] + acc[6]
        s2 = acc[1] + acc[3] + acc[5] + acc[7]
        lane = lax.iota(jnp.int32, _L)
        for sh in (8, 4, 2, 1):
            perm = jnp.bitwise_xor(lane, sh)
            s1 = s1 + s1[perm]
            s2 = s2 + s2[perm]
        out_v[...] = (2.0 * _N * s2 - s1 * s1) * (1.0 / _NPAIRS)
        pltpu.sync_copy(out_v, out_hbm)


@jax.jit
def _moco_loss(p_flat, t_flat):
    mesh = plsc.VectorSubcoreMesh(
        core_axis_name="c", subcore_axis_name="s", num_cores=1
    )
    out = pl.kernel(
        _loss_body,
        out_type=jax.ShapeDtypeStruct((_L,), jnp.float32),
        mesh=mesh,
        scratch_types=[
            pltpu.VMEM((_N,), jnp.float32),
            pltpu.VMEM((_N,), jnp.float32),
            pltpu.VMEM((_L,), jnp.float32),
            pltpu.SemaphoreType.DMA,
        ],
    )(p_flat, t_flat)
    return out[0]


def kernel(predictions, targets):
    return _moco_loss(predictions.reshape(_N), targets.reshape(_N))

# --- scband reference (transcript-rebuilt; emitter-appended) ---
"""Pipeline reference for scband-different-moco-loss-35613868818816 (READ-ONLY COPY).

The authoritative reference and input builder live on the scoring server;
editing this copy changes nothing except your own understanding.
"""

import jax, jax.numpy as jnp
import numpy as np

N = 4096

def setup_inputs(seed: int = 0) -> dict:
    key = jax.random.key(seed)
    k1, k2 = jax.random.split(key)
    predictions = jax.random.normal(k1, (N, 1), dtype=jnp.float32)
    targets = jax.random.normal(k2, (N, 1), dtype=jnp.float32)
    return {"predictions": predictions, "targets": targets}

def reference(predictions, targets):
    n = predictions.shape[0]
    # 2D case with trailing dim 1
    uniform_labels = jnp.linspace(0.0, 1.0, n).astype(predictions.dtype)[:, None]
    predictions_enhanced = jnp.concatenate([predictions, uniform_labels], axis=0)
    targets_enhanced = jnp.concatenate([targets, uniform_labels], axis=0)
    # torch.combinations(arange(n)) -> all i<j pairs
    ia, ib = jnp.triu_indices(n, k=1)
    # torch.cartesian_prod(arange(n), arange(n, 2n))
    ca = jnp.repeat(jnp.arange(n, dtype=jnp.int64), n)
    cb = jnp.tile(jnp.arange(n, 2 * n, dtype=jnp.int64), n)
    idx_a = jnp.concatenate([ia.astype(jnp.int64), ca], axis=0)
    idx_b = jnp.concatenate([ib.astype(jnp.int64), cb], axis=0)
    pred_a = jnp.take(predictions_enhanced, idx_a, axis=0)
    pred_b = jnp.take(predictions_enhanced, idx_b, axis=0)
    target_a = jnp.take(targets_enhanced, idx_a, axis=0)
    target_b = jnp.take(targets_enhanced, idx_b, axis=0)
    diff_pred = pred_a - pred_b
    diff_gt = target_a - target_b
    loss = jnp.mean((diff_pred - diff_gt) ** 2)
    return loss

if __name__ == "__main__":
    import jax
    _d = setup_inputs()
    print(jax.jit(kernel)(*tuple(_d.values())))

</pallas_src>

<mosaic_0001>
#map = affine_map<(d0, d1) -> (0)>
module attributes {stable_mosaic.version = 14 : i64} {
  func.func @_loss_body(%arg0: i32, %arg1: i32, %arg2: memref<4096xf32, #tpu.memory_space<hbm>>, %arg3: memref<4096xf32, #tpu.memory_space<hbm>>, %arg4: memref<16xf32, #tpu.memory_space<hbm>>, %arg5: memref<4096xf32, #tpu.memory_space<vmem>>, %arg6: memref<4096xf32, #tpu.memory_space<vmem>>, %arg7: memref<16xf32, #tpu.memory_space<vmem>>, %arg8: memref<!tpu.dma_semaphore, #tpu.memory_space<semaphore_mem>>) attributes {dimension_semantics = [#tpu.dimension_semantics<core_parallel>, #tpu.dimension_semantics<subcore_parallel>], iteration_bounds = array<i64: 1, 16>, scalar_prefetch = 0 : i64, scratch_operands = 4 : i64, tpu.core_type = #tpu.core_type<sc_vector_subcore>, window_params = [{transform_indices = #map}, {transform_indices = #map}, {transform_indices = #map}]} {
    %eq3A = arith.constant 0 : i32
    %eq3A_0 = arith.cmpi eq, %arg0, %eq3A : i32
    %eq3A_1 = arith.constant 0 : i32
    %eq3A_2 = arith.cmpi eq, %arg1, %eq3A_1 : i32
    %and3A = arith.andi %eq3A_0, %eq3A_2 : i1
    %convert_element_type3A = arith.extui %and3A : i1 to i32
    %cond3A = arith.constant 0 : i32
    %cond3A_3 = arith.cmpi ne, %convert_element_type3A, %cond3A : i32
    scf.if %cond3A_3 {
      tpu.enqueue_dma source(%arg2 : memref<4096xf32, #tpu.memory_space<hbm>>) target(%arg5 : memref<4096xf32, #tpu.memory_space<vmem>>) target_semaphore(%arg8 : memref<!tpu.dma_semaphore, #tpu.memory_space<semaphore_mem>>)
      tpu.enqueue_dma source(%arg3 : memref<4096xf32, #tpu.memory_space<hbm>>) target(%arg6 : memref<4096xf32, #tpu.memory_space<vmem>>) target_semaphore(%arg8 : memref<!tpu.dma_semaphore, #tpu.memory_space<semaphore_mem>>)
      tpu.wait_dma2 semaphore(%arg8 : memref<!tpu.dma_semaphore, #tpu.memory_space<semaphore_mem>>) src(%arg2 : memref<4096xf32, #tpu.memory_space<hbm>>) dst(%arg5 : memref<4096xf32, #tpu.memory_space<vmem>>)
      tpu.wait_dma2 semaphore(%arg8 : memref<!tpu.dma_semaphore, #tpu.memory_space<semaphore_mem>>) src(%arg3 : memref<4096xf32, #tpu.memory_space<hbm>>) dst(%arg6 : memref<4096xf32, #tpu.memory_space<vmem>>)
      %broadcast_in_dim3A = arith.constant 0.000000e+00 : f32
      %broadcast_in_dim3A_4 = vector.broadcast %broadcast_in_dim3A : f32 to vector<16xf32>
      %scan3A = arith.constant 0 : i32
      %scan3A_5 = arith.constant 64 : i32
      %scan3A_6 = arith.addi %scan3A, %scan3A_5 : i32
      %scan3A_7 = arith.constant 1 : i32
      %scan3A_8:8 = scf.for %scan3A_120 = %scan3A to %scan3A_6 step %scan3A_7 iter_args(%scan3A_121 = %broadcast_in_dim3A_4, %scan3A_122 = %broadcast_in_dim3A_4, %scan3A_123 = %broadcast_in_dim3A_4, %scan3A_124 = %broadcast_in_dim3A_4, %scan3A_125 = %broadcast_in_dim3A_4, %scan3A_126 = %broadcast_in_dim3A_4, %scan3A_127 = %broadcast_in_dim3A_4, %scan3A_128 = %broadcast_in_dim3A_4) -> (vector<16xf32>, vector<16xf32>, vector<16xf32>, vector<16xf32>, vector<16xf32>, vector<16xf32>, vector<16xf32>, vector<16xf32>)  : i32 {
        %mul3A_129 = arith.constant 64 : i32
        %mul3A_130 = arith.muli %scan3A_120, %mul3A_129 : i32
        %add3A_131 = arith.constant 0 : i32
        %add3A_132 = arith.addi %mul3A_130, %add3A_131 : i32
        %get3A = arith.index_cast %add3A_132 : i32 to index
        %get3A_133 = tpu.vector_load %arg5[%get3A] {strides = array<i32>} : memref<4096xf32, #tpu.memory_space<vmem>>, vector<16xf32>,
        %get3A_134 = vector.shape_cast %get3A_133 : vector<16xf32> to vector<16xf32>
        %get3A_135 = arith.index_cast %add3A_132 : i32 to index
        %get3A_136 = tpu.vector_load %arg6[%get3A_135] {strides = array<i32>} : memref<4096xf32, #tpu.memory_space<vmem>>, vector<16xf32>,
        %get3A_137 = vector.shape_cast %get3A_136 : vector<16xf32> to vector<16xf32>
        %sub3A_138 = arith.subf %get3A_134, %get3A_137 : vector<16xf32>
        %add3A_139 = arith.addf %scan3A_121, %sub3A_138 : vector<16xf32>
        %mul3A_140 = arith.mulf %sub3A_138, %sub3A_138 : vector<16xf32>
        %add3A_141 = arith.addf %scan3A_122, %mul3A_140 : vector<16xf32>
        %add3A_142 = arith.constant 16 : i32
        %add3A_143 = arith.addi %mul3A_130, %add3A_142 : i32
        %get3A_144 = arith.index_cast %add3A_143 : i32 to index
        %get3A_145 = tpu.vector_load %arg5[%get3A_144] {strides = array<i32>} : memref<4096xf32, #tpu.memory_space<vmem>>, vector<16xf32>,
        %get3A_146 = vector.shape_cast %get3A_145 : vector<16xf32> to vector<16xf32>
        %get3A_147 = arith.index_cast %add3A_143 : i32 to index
        %get3A_148 = tpu.vector_load %arg6[%get3A_147] {strides = array<i32>} : memref<4096xf32, #tpu.memory_space<vmem>>, vector<16xf32>,
        %get3A_149 = vector.shape_cast %get3A_148 : vector<16xf32> to vector<16xf32>
        %sub3A_150 = arith.subf %get3A_146, %get3A_149 : vector<16xf32>
        %add3A_151 = arith.addf %scan3A_123, %sub3A_150 : vector<16xf32>
        %mul3A_152 = arith.mulf %sub3A_150, %sub3A_150 : vector<16xf32>
        %add3A_153 = arith.addf %scan3A_124, %mul3A_152 : vector<16xf32>
        %add3A_154 = arith.constant 32 : i32
        %add3A_155 = arith.addi %mul3A_130, %add3A_154 : i32
        %get3A_156 = arith.index_cast %add3A_155 : i32 to index
        %get3A_157 = tpu.vector_load %arg5[%get3A_156] {strides = array<i32>} : memref<4096xf32, #tpu.memory_space<vmem>>, vector<16xf32>,
        %get3A_158 = vector.shape_cast %get3A_157 : vector<16xf32> to vector<16xf32>
        %get3A_159 = arith.index_cast %add3A_155 : i32 to index
        %get3A_160 = tpu.vector_load %arg6[%get3A_159] {strides = array<i32>} : memref<4096xf32, #tpu.memory_space<vmem>>, vector<16xf32>,
        %get3A_161 = vector.shape_cast %get3A_160 : vector<16xf32> to vector<16xf32>
        %sub3A_162 = arith.subf %get3A_158, %get3A_161 : vector<16xf32>
        %add3A_163 = arith.addf %scan3A_125, %sub3A_162 : vector<16xf32>
        %mul3A_164 = arith.mulf %sub3A_162, %sub3A_162 : vector<16xf32>
        %add3A_165 = arith.addf %scan3A_126, %mul3A_164 : vector<16xf32>
        %add3A_166 = arith.constant 48 : i32
        %add3A_167 = arith.addi %mul3A_130, %add3A_166 : i32
        %get3A_168 = arith.index_cast %add3A_167 : i32 to index
        %get3A_169 = tpu.vector_load %arg5[%get3A_168] {strides = array<i32>} : memref<4096xf32, #tpu.memory_space<vmem>>, vector<16xf32>,
        %get3A_170 = vector.shape_cast %get3A_169 : vector<16xf32> to vector<16xf32>
        %get3A_171 = arith.index_cast %add3A_167 : i32 to index
        %get3A_172 = tpu.vector_load %arg6[%get3A_171] {strides = array<i32>} : memref<4096xf32, #tpu.memory_space<vmem>>, vector<16xf32>,
        %get3A_173 = vector.shape_cast %get3A_172 : vector<16xf32> to vector<16xf32>
        %sub3A_174 = arith.subf %get3A_170, %get3A_173 : vector<16xf32>
        %add3A_175 = arith.addf %scan3A_127, %sub3A_174 : vector<16xf32>
        %mul3A_176 = arith.mulf %sub3A_174, %sub3A_174 : vector<16xf32>
        %add3A_177 = arith.addf %scan3A_128, %mul3A_176 : vector<16xf32>
        scf.yield %add3A_139, %add3A_141, %add3A_151, %add3A_153, %add3A_163, %add3A_165, %add3A_175, %add3A_177 : vector<16xf32>, vector<16xf32>, vector<16xf32>, vector<16xf32>, vector<16xf32>, vector<16xf32>, vector<16xf32>, vector<16xf32>
      }
      %scan3A_9 = arith.constant 64 : i32
      %add3A = arith.addf %scan3A_8#0, %scan3A_8#2 : vector<16xf32>
      %add3A_10 = arith.addf %add3A, %scan3A_8#4 : vector<16xf32>
      %add3A_11 = arith.addf %add3A_10, %scan3A_8#6 : vector<16xf32>
      %add3A_12 = arith.addf %scan3A_8#1, %scan3A_8#3 : vector<16xf32>
      %add3A_13 = arith.addf %add3A_12, %scan3A_8#5 : vector<16xf32>
      %add3A_14 = arith.addf %add3A_13, %scan3A_8#7 : vector<16xf32>
      %iota3A = tpu.iota {dimensions = array<i32: 0>} : vector<16xi32>
      %xor3A = arith.constant 8 : i32
      %xor3A_15 = vector.broadcast %xor3A : i32 to vector<16xi32>
      %xor3A_16 = arith.xori %iota3A, %xor3A_15 : vector<16xi32>
      %lt3A = arith.constant 0 : i32
      %lt3A_17 = vector.broadcast %lt3A : i32 to vector<16xi32>
      %lt3A_18 = arith.cmpi slt, %xor3A_16, %lt3A_17 : vector<16xi32>
      %add3A_19 = arith.constant 16 : i32
      %add3A_20 = vector.broadcast %add3A_19 : i32 to vector<16xi32>
      %add3A_21 = arith.addi %xor3A_16, %add3A_20 : vector<16xi32>
      %select_n3A = arith.select %lt3A_18, %add3A_21, %xor3A_16 : vector<16xi1>, vector<16xi32>
      %broadcast_in_dim3A_22 = vector.shape_cast %select_n3A : vector<16xi32> to vector<16x1xi32>
      %gather3A = vector.shape_cast %broadcast_in_dim3A_22 : vector<16x1xi32> to vector<16xi32>
      %gather3A_23 = tpu.dynamic_gather %add3A_11[%gather3A] in [0] : vector<16xf32>, vector<16xi32> -> vector<16xf32>
      %add3A_24 = arith.addf %add3A_11, %gather3A_23 : vector<16xf32>
      %lt3A_25 = arith.constant 0 : i32
      %lt3A_26 = vector.broadcast %lt3A_25 : i32 to vector<16xi32>
      %lt3A_27 = arith.cmpi slt, %xor3A_16, %lt3A_26 : vector<16xi32>
      %add3A_28 = arith.constant 16 : i32
      %add3A_29 = vector.broadcast %add3A_28 : i32 to vector<16xi32>
      %add3A_30 = arith.addi %xor3A_16, %add3A_29 : vector<16xi32>
      %select_n3A_31 = arith.select %lt3A_27, %add3A_30, %xor3A_16 : vector<16xi1>, vector<16xi32>
      %broadcast_in_dim3A_32 = vector.shape_cast %select_n3A_31 : vector<16xi32> to vector<16x1xi32>
      %gather3A_33 = vector.shape_cast %broadcast_in_dim3A_32 : vector<16x1xi32> to vector<16xi32>
      %gather3A_34 = tpu.dynamic_gather %add3A_14[%gather3A_33] in [0] : vector<16xf32>, vector<16xi32> -> vector<16xf32>
      %add3A_35 = arith.addf %add3A_14, %gather3A_34 : vector<16xf32>
      %xor3A_36 = arith.constant 4 : i32
      %xor3A_37 = vector.broadcast %xor3A_36 : i32 to vector<16xi32>
      %xor3A_38 = arith.xori %iota3A, %xor3A_37 : vector<16xi32>
      %lt3A_39 = arith.constant 0 : i32
      %lt3A_40 = vector.broadcast %lt3A_39 : i32 to vector<16xi32>
      %lt3A_41 = arith.cmpi slt, %xor3A_38, %lt3A_40 : vector<16xi32>
      %add3A_42 = arith.constant 16 : i32
      %add3A_43 = vector.broadcast %add3A_42 : i32 to vector<16xi32>
      %add3A_44 = arith.addi %xor3A_38, %add3A_43 : vector<16xi32>
      %select_n3A_45 = arith.select %lt3A_41, %add3A_44, %xor3A_38 : vector<16xi1>, vector<16xi32>
      %broadcast_in_dim3A_46 = vector.shape_cast %select_n3A_45 : vector<16xi32> to vector<16x1xi32>
      %gather3A_47 = vector.shape_cast %broadcast_in_dim3A_46 : vector<16x1xi32> to vector<16xi32>
      %gather3A_48 = tpu.dynamic_gather %add3A_24[%gather3A_47] in [0] : vector<16xf32>, vector<16xi32> -> vector<16xf32>
      %add3A_49 = arith.addf %add3A_24, %gather3A_48 : vector<16xf32>
      %lt3A_50 = arith.constant 0 : i32
      %lt3A_51 = vector.broadcast %lt3A_50 : i32 to vector<16xi32>
      %lt3A_52 = arith.cmpi slt, %xor3A_38, %lt3A_51 : vector<16xi32>
      %add3A_53 = arith.constant 16 : i32
      %add3A_54 = vector.broadcast %add3A_53 : i32 to vector<16xi32>
      %add3A_55 = arith.addi %xor3A_38, %add3A_54 : vector<16xi32>
      %select_n3A_56 = arith.select %lt3A_52, %add3A_55, %xor3A_38 : vector<16xi1>, vector<16xi32>
      %broadcast_in_dim3A_57 = vector.shape_cast %select_n3A_56 : vector<16xi32> to vector<16x1xi32>
      %gather3A_58 = vector.shape_cast %broadcast_in_dim3A_57 : vector<16x1xi32> to vector<16xi32>
      %gather3A_59 = tpu.dynamic_gather %add3A_35[%gather3A_58] in [0] : vector<16xf32>, vector<16xi32> -> vector<16xf32>
      %add3A_60 = arith.addf %add3A_35, %gather3A_59 : vector<16xf32>
      %xor3A_61 = arith.constant 2 : i32
      %xor3A_62 = vector.broadcast %xor3A_61 : i32 to vector<16xi32>
      %xor3A_63 = arith.xori %iota3A, %xor3A_62 : vector<16xi32>
      %lt3A_64 = arith.constant 0 : i32
      %lt3A_65 = vector.broadcast %lt3A_64 : i32 to vector<16xi32>
      %lt3A_66 = arith.cmpi slt, %xor3A_63, %lt3A_65 : vector<16xi32>
      %add3A_67 = arith.constant 16 : i32
      %add3A_68 = vector.broadcast %add3A_67 : i32 to vector<16xi32>
      %add3A_69 = arith.addi %xor3A_63, %add3A_68 : vector<16xi32>
      %select_n3A_70 = arith.select %lt3A_66, %add3A_69, %xor3A_63 : vector<16xi1>, vector<16xi32>
      %broadcast_in_dim3A_71 = vector.shape_cast %select_n3A_70 : vector<16xi32> to vector<16x1xi32>
      %gather3A_72 = vector.shape_cast %broadcast_in_dim3A_71 : vector<16x1xi32> to vector<16xi32>
      %gather3A_73 = tpu.dynamic_gather %add3A_49[%gather3A_72] in [0] : vector<16xf32>, vector<16xi32> -> vector<16xf32>
      %add3A_74 = arith.addf %add3A_49, %gather3A_73 : vector<16xf32>
      %lt3A_75 = arith.constant 0 : i32
      %lt3A_76 = vector.broadcast %lt3A_75 : i32 to vector<16xi32>
      %lt3A_77 = arith.cmpi slt, %xor3A_63, %lt3A_76 : vector<16xi32>
      %add3A_78 = arith.constant 16 : i32
      %add3A_79 = vector.broadcast %add3A_78 : i32 to vector<16xi32>
      %add3A_80 = arith.addi %xor3A_63, %add3A_79 : vector<16xi32>
      %select_n3A_81 = arith.select %lt3A_77, %add3A_80, %xor3A_63 : vector<16xi1>, vector<16xi32>
      %broadcast_in_dim3A_82 = vector.shape_cast %select_n3A_81 : vector<16xi32> to vector<16x1xi32>
      %gather3A_83 = vector.shape_cast %broadcast_in_dim3A_82 : vector<16x1xi32> to vector<16xi32>
      %gather3A_84 = tpu.dynamic_gather %add3A_60[%gather3A_83] in [0] : vector<16xf32>, vector<16xi32> -> vector<16xf32>
      %add3A_85 = arith.addf %add3A_60, %gather3A_84 : vector<16xf32>
      %xor3A_86 = arith.constant 1 : i32
      %xor3A_87 = vector.broadcast %xor3A_86 : i32 to vector<16xi32>
      %xor3A_88 = arith.xori %iota3A, %xor3A_87 : vector<16xi32>
      %lt3A_89 = arith.constant 0 : i32
      %lt3A_90 = vector.broadcast %lt3A_89 : i32 to vector<16xi32>
      %lt3A_91 = arith.cmpi slt, %xor3A_88, %lt3A_90 : vector<16xi32>
      %add3A_92 = arith.constant 16 : i32
      %add3A_93 = vector.broadcast %add3A_92 : i32 to vector<16xi32>
      %add3A_94 = arith.addi %xor3A_88, %add3A_93 : vector<16xi32>
      %select_n3A_95 = arith.select %lt3A_91, %add3A_94, %xor3A_88 : vector<16xi1>, vector<16xi32>
      %broadcast_in_dim3A_96 = vector.shape_cast %select_n3A_95 : vector<16xi32> to vector<16x1xi32>
      %gather3A_97 = vector.shape_cast %broadcast_in_dim3A_96 : vector<16x1xi32> to vector<16xi32>
      %gather3A_98 = tpu.dynamic_gather %add3A_74[%gather3A_97] in [0] : vector<16xf32>, vector<16xi32> -> vector<16xf32>
      %add3A_99 = arith.addf %add3A_74, %gather3A_98 : vector<16xf32>
      %lt3A_100 = arith.constant 0 : i32
      %lt3A_101 = vector.broadcast %lt3A_100 : i32 to vector<16xi32>
      %lt3A_102 = arith.cmpi slt, %xor3A_88, %lt3A_101 : vector<16xi32>
      %add3A_103 = arith.constant 16 : i32
      %add3A_104 = vector.broadcast %add3A_103 : i32 to vector<16xi32>
      %add3A_105 = arith.addi %xor3A_88, %add3A_104 : vector<16xi32>
      %select_n3A_106 = arith.select %lt3A_102, %add3A_105, %xor3A_88 : vector<16xi1>, vector<16xi32>
      %broadcast_in_dim3A_107 = vector.shape_cast %select_n3A_106 : vector<16xi32> to vector<16x1xi32>
      %gather3A_108 = vector.shape_cast %broadcast_in_dim3A_107 : vector<16x1xi32> to vector<16xi32>
      %gather3A_109 = tpu.dynamic_gather %add3A_85[%gather3A_108] in [0] : vector<16xf32>, vector<16xi32> -> vector<16xf32>
      %add3A_110 = arith.addf %add3A_85, %gather3A_109 : vector<16xf32>
      %mul3A = arith.constant 8.192000e+03 : f32
      %mul3A_111 = vector.broadcast %mul3A : f32 to vector<16xf32>
      %mul3A_112 = arith.mulf %mul3A_111, %add3A_110 : vector<16xf32>
      %mul3A_113 = arith.mulf %add3A_99, %add3A_99 : vector<16xf32>
      %sub3A = arith.subf %mul3A_112, %mul3A_113 : vector<16xf32>
      %mul3A_114 = arith.constant 3.9739664E-8 : f32
      %mul3A_115 = vector.broadcast %mul3A_114 : f32 to vector<16xf32>
      %mul3A_116 = arith.mulf %sub3A, %mul3A_115 : vector<16xf32>
      %swap3A = arith.constant 0 : index
      %swap3A_117 = tpu.vector_load %arg7[%swap3A] {strides = array<i32>} : memref<16xf32, #tpu.memory_space<vmem>>, vector<16xf32>,
      %swap3A_118 = vector.shape_cast %swap3A_117 : vector<16xf32> to vector<16xf32>
      %swap3A_119 = vector.shape_cast %mul3A_116 : vector<16xf32> to vector<16xf32>
      tpu.vector_store %arg7[%swap3A], %swap3A_119 {strides = array<i32>} : memref<16xf32, #tpu.memory_space<vmem>>, vector<16xf32>,
      "tpu.region"() ({
        %run_scoped3A = tpu.sem_alloc : memref<!tpu.dma_semaphore, #tpu.memory_space<semaphore_mem>>
        tpu.enqueue_dma source(%arg7 : memref<16xf32, #tpu.memory_space<vmem>>) target(%arg4 : memref<16xf32, #tpu.memory_space<hbm>>) target_semaphore(%run_scoped3A : memref<!tpu.dma_semaphore, #tpu.memory_space<semaphore_mem>>)
        tpu.wait_dma2 semaphore(%run_scoped3A : memref<!tpu.dma_semaphore, #tpu.memory_space<semaphore_mem>>) src(%arg7 : memref<16xf32, #tpu.memory_space<vmem>>) dst(%arg4 : memref<16xf32, #tpu.memory_space<hbm>>)
        tpu.yield
      }) : () -> ()
    } else {
    }
    return
  }
}

</mosaic_0001>

<sc_bundles>
// kernel: _moco_loss.3.cloned.1.call-start
scs
__scs_entry_jumppad:
0x0: {  	(pc) =	sbr.rel $0x88, $3  }
0x1: {  	(tag) =	ssettag $0x0;
	lr =	simm.s32 $0x1  }
0x2: {  	[smem:$0x3F9F] =	sst lr;
	_ =	strace $0xD0000000  }
0x3: {  	_ = 	snop  }
0x4: {  	_ = 	snop  }
0x5: {  	_ = 	snop  }
0x6: {  	_ = 	snop  }
0x7: {  	_ = 	snop  }
__scs_overlays_trampoline_lowered:
0x8: {  	[smem:$0x3FAE] =	sst s0  }
0x9: {  	[smem:$0x3FAF] =	sst s1  }
0xa: {  	[smem:$0x3FB0] =	sst s2  }
0xb: {  	[smem:$0x3FB1] =	sst s3  }
0xc: {  	[smem:$0x3FB2] =	sst s4  }
0xd: {  	[smem:$0x3FB3] =	sst s5  }
0xe: {  	[smem:$0x3FB4] =	sst s6  }
0xf: {  	[smem:$0x3FB5] =	sst s7  }
0x10: {  	[smem:$0x3FB6] =	sst s8  }
0x11: {  	[smem:$0x3FB7] =	sst s9;
	s0 =	simm.s32 @!p0 $0x0  }
0x12: {  	s1 =	sld [smem:$0x3F9D];
	s0 =	simm.s32 @p0 $0x1  }
0x13: {  	[smem:$0x3FB8] =	sst s0;
	s0 =	simm.s32 @!p1 $0x0  }
0x14: {  	s2 =	sld [smem:$0x3F9C];
	s0 =	simm.s32 @p1 $0x1  }
0x15: {  	[smem:$0x3FB9] =	sst s0;
	s0 =	simm.s32 @!p2 $0x0  }
0x16: {  	s3 =	sld [smem:$0x3FDB];
	s0 =	simm.s32 @p2 $0x1  }
0x17: {  	s4 =	simm.s32 $0x1BF5;
	[smem:$0x3FBB] =	sst s0  }
0x18: {  	s0 =	sld [smem:$0x3F9E];
	_ =	swait.ge [sflag:s4], $0x0  }
0x19: {  	s7 =	sld [smem:$0x3F9F]  }
0x1a: {  	s8 =	sadd.s32 $0xFFFFE003, lr  }
0x1b: {  	s9 =	sadd.s32 $0xFFFFFEF7, lr;
	s5 =	simm.s32 $0xFFFFFFFF;
	p2 =	slt.u32 s8, $0xFFFFF086  }
0x1c: {  	p1 =	slt.u32 s9, $0xF7A;
	s5 =	simm.s32 @!p2 $0x0  }
0x1d: {  	s5 =	simm.s32 @p1 $0x1;
	p0 =	seq.s32 s7, s2  }
0x1e: {  	s7 =	smul.u32 @!p0 $0xF7A, s2;
	p2 =	seq.s32 @!p0 s5, $0x0  }
0x1f: {  	s9 =	smul.u32 $0xF7A, s1;
	s8 =	simm.s32 @!p0 $0x1BF5;
	p2 =	por !p2, p0  }
0x20: {  	[sflag:s8] =	ssyncset.s32 @!p0 $0xFFFFF086;
	s6 =	sadd.s32 @!p0 s3, s7;
	s7 =	simm.s32 @!p0 $0x108  }
0x21: {  	s3 =	sadd.s32 s3, s9;
	s6 =	sadd.s32 @!p0 $0x88, s6;
	s7 =	simm.s32 @p2 $0x1082  }
0x22: {  	[simem:s7], [sflag:s8] =	dma.local @!p0 [hbm:s6], $0xF7A  }
0x23: {  	s9 =	sor.u32 $0xD0000000, s2;
	s6 =	simm.s32 $0x108;
	_ =	swait.ge @!p0 [sflag:s8], $0x0  }
0x24: {  	s3 =	sadd.s32 $0x88, s3;
	s6 =	simm.s32 @!p1 $0x1082;
	[sflag:s4] =	ssyncset.s32 $0xFFFFF086  }
0x25: {  	[simem:s6], [sflag:s4] =	dma.local [hbm:s3], $0xF7A  }
0x26: {  	[smem:$0x3F9F] =	sst s1;
	(tag) =	ssettag s2;
	_ =	strace s9  }
0x27: {  	s1 =	sld [smem:$0x3FAF]  }
0x28: {  	s2 =	sld [smem:$0x3FB0]  }
0x29: {  	s4 =	sld [smem:$0x3FB2]  }
0x2a: {  	p0 =	seq.s32 s5, $0x0;
	s5 =	sld [smem:$0x3FB3]  }
0x2b: {  	s6 =	sld [smem:$0x3FB4]  }
0x2c: {  	s7 =	sld [smem:$0x3FB5]  }
0x2d: {  	s3 =	simm.s32 $0x108;
	s8 =	sld [smem:$0x3FB6]  }
0x2e: {  	s3 =	simm.s32 @!p0 $0x1082;
	s9 =	sld [smem:$0x3FB7]  }
0x2f: {  	lr =	sadd.s32 s0, s3;
	s0 =	sld [smem:$0x3FAE]  }
0x30: {  	s3 =	sld [smem:$0x3FB1]  }
0x31: {  	[smem:$0x3FBA] =	sst s10  }
0x32: {  	s10 =	sld [smem:$0x3FB8];
	_ =	sdelay $0x3  }
0x33: {  	p0 =	seq.s32 s10, $0x1;
	s10 =	sld [smem:$0x3FBA];
	_ =	sdelay $0x3  }
0x34: {  	[smem:$0x3FBA] =	sst s10  }
0x35: {  	s10 =	sld [smem:$0x3FB9];
	_ =	sdelay $0x3  }
0x36: {  	p1 =	seq.s32 s10, $0x1;
	s10 =	sld [smem:$0x3FBA];
	_ =	sdelay $0x3  }
0x37: {  	[smem:$0x3FBA] =	sst s10  }
0x38: {  	s10 =	sld [smem:$0x3FBB]  }
0x39: {  	_ = 	snop;
	(pc) =	sbr.ind lr, $3  }
0x3a: {  	_ = 	snop  }
0x3b: {  	_ = 	snop  }
0x3c: {  	p2 =	seq.s32 s10, $0x1;
	s10 =	sld [smem:$0x3FBA]  }
0x3d: {  	_ =	shalt  }
0x3e: {  	_ =	shalt  }
0x3f: {  	_ =	shalt  }
0x40: {  	_ =	shalt  }
0x41: {  	_ =	shalt  }
0x42: {  	_ =	shalt  }
0x43: {  	_ =	shalt  }
0x44: {  	_ =	shalt  }
0x45: {  	_ =	shalt  }
0x46: {  	_ =	shalt  }
0x47: {  	_ =	shalt  }
0x48: {  	_ =	shalt  }
0x49: {  	_ =	shalt  }
0x4a: {  	_ =	shalt  }
0x4b: {  	_ =	shalt  }
0x4c: {  	_ =	shalt  }
0x4d: {  	_ =	shalt  }
0x4e: {  	_ =	shalt  }
0x4f: {  	_ =	shalt  }
0x50: {  	_ =	shalt  }
0x51: {  	_ =	shalt  }
0x52: {  	_ =	shalt  }
0x53: {  	_ =	shalt  }
0x54: {  	_ =	shalt  }
0x55: {  	_ =	shalt  }
0x56: {  	_ =	shalt  }
0x57: {  	_ =	shalt  }
0x58: {  	_ =	shalt  }
0x59: {  	_ =	shalt  }
0x5a: {  	_ =	shalt  }
0x5b: {  	_ =	shalt  }
0x5c: {  	_ =	shalt  }
0x5d: {  	_ =	shalt  }
0x5e: {  	_ =	shalt  }
0x5f: {  	_ =	shalt  }
0x60: {  	_ =	shalt  }
0x61: {  	_ =	shalt  }
0x62: {  	_ =	shalt  }
0x63: {  	_ =	shalt  }
0x64: {  	_ =	shalt  }
0x65: {  	_ =	shalt  }
0x66: {  	_ =	shalt  }
0x67: {  	_ =	shalt  }
0x68: {  	_ =	shalt  }
0x69: {  	_ =	shalt  }
0x6a: {  	_ =	shalt  }
0x6b: {  	_ =	shalt  }
0x6c: {  	_ =	shalt  }
0x6d: {  	_ =	shalt  }
0x6e: {  	_ =	shalt  }
0x6f: {  	_ =	shalt  }
0x70: {  	_ =	shalt  }
0x71: {  	_ =	shalt  }
0x72: {  	_ =	shalt  }
0x73: {  	_ =	shalt  }
0x74: {  	_ =	shalt  }
0x75: {  	_ =	shalt  }
0x76: {  	_ =	shalt  }
0x77: {  	_ =	shalt  }
0x78: {  	_ =	shalt  }
0x79: {  	_ =	shalt  }
0x7a: {  	_ =	shalt  }
0x7b: {  	_ =	shalt  }
0x7c: {  	_ =	shalt  }
0x7d: {  	_ =	shalt  }
0x7e: {  	_ =	shalt  }
0x7f: {  	_ =	shalt  }
0x80: {  	_ =	shalt  }
0x81: {  	_ =	shalt  }
0x82: {  	_ =	shalt  }
0x83: {  	_ =	shalt  }
0x84: {  	_ =	shalt  }
0x85: {  	_ =	shalt  }
0x86: {  	_ =	shalt  }
0x87: {  	_ =	shalt  }
.Lfunc_end0:
.L_simem_size_0:
called_computation_lowered:
.L_overlay_start_0:
0x88: {  	s0 =	sld [smem:$0x3FD9]  }
0x89: {  	s1 =	sld [smem:$0x3FFE];
	_ =	sdelay $0x3  }
0x8a: {  	s0 =	sadd.s32 s1, s0  }
0x8b: {  	[smem:$0x3FC6] =	sst s0  }
0x8c: {  	_ = 	snop  }
0x8d: {  	s0 =	sld [smem:$0x3FC9]  }
0x8e: {  	s17 =	sld [smem:$0x3FC8]  }
0x8f: {  	s2 =	sld [smem:$0x3FD0];
	(tm) =	ssettm $0x1  }
0x90: {  	s3 =	sld [smem:$0x3FFB];
	_ =	sdelay $0x3  }
0x91: {  	_ =	strace s3  }
0x92: {  	s3 =	sld [smem:$0x3FFC];
	_ =	sdelay $0x3  }
0x93: {  	_ =	strace s3  }
0x94: {  	s3 =	sld [smem:$0x3FFD];
	_ =	sdelay $0x3  }
0x95: {  	_ =	strace s3  }
0x96: {  	_ =	strace $0x8FFFFFFF  }
0x97: {  	s18 =	sld [smem:$0x3FDB];
	_ =	sdelay $0x1  }
0x98: {  	s4 =	simm.s32 $_scs_section_size  }
0x99: {  	s5 =	simm.s32 $_size__tile_overlayer_lowered;
	s6 =	simm.s32 $_tile_overlayer_lowered  }
0x9a: {  	s21 =	simm.s32 $0x1BFF;
	s20 =	sshll.u32 s6, $0x1;
	s3 =	sadd.s32 s4, s18  }
0x9b: {  	s7 =	simm.s32 $0x0;
	s19 =	sshll.u32 s5, $0x1;
	s5 =	sadd.s32 s20, s3  }
0x9c: {  	[timem:s7], [sflag:s21] =	dma.local [hbm:s5], s19  }
0x9d: {  	_ =	swait.ge [sflag:s21], s19  }
0x9e: {  	s4 =	ssub.s32 $0x0, s19;
	[sflag:s21] =	ssyncset.done $0x0  }
0x9f: {  	[sflag:s21] =	ssyncadd.s32 s4;
	_ =	sdelay $0x1  }
0xa0: {  	s22 =	simm.s32 $0x1B8B  }
0xa1: {  	_ =	swait.ge [sflag:s22], $0x1  }
0xa2: {  	[sflag:s22] =	ssyncset.done $0x0  }
0xa3: {  	s23 =	simm.s32 $0x1B8E;
	[sflag:s22] =	ssyncadd.s32 $0xFFFFFFFF  }
0xa4: {  	s24 =	simm.s32 $execute0_lowered;
	[smem:$0x3FD2] =	sst s23  }
0xa5: {  	s4 =	sshll.u32 s24, $0x1;
	_ =	strace $0x80000046;
	[dreg:$0x1] =	wrdreg $0xFFFFFFFF  }
0xa6: {  	s25 =	simm.s32 $_size_execute0_lowered;
	s3 =	sadd.s32 s3, s4;
	[dreg:$0x0] =	wrdreg $0x0  }
0xa7: {  	s4 =	sshll.u32 s25, $0x1;
	[dreg:$0x2] =	wrdreg s3  }
0xa8: {  	[dreg:$0x3] =	wrdreg s4  }
0xa9: {  	[dreg:$0x4] =	wrdreg $0xC0  }
0xaa: {  	_ =	task [dreg:s7], $0x5FFFF  }
0xab: {  	[dreg:$0x1] =	wrdreg $0xFFFFFFFF  }
0xac: {  	[dreg:$0x0] =	wrdreg $0x60  }
0xad: {  	[dreg:$0x2] =	wrdreg s0  }
0xae: {  	[dreg:$0x3] =	wrdreg s17  }
0xaf: {  	[dreg:$0x4] =	wrdreg s2  }
0xb0: {  	[dreg:$0x5] =	wrdreg $0x9  }
0xb1: {  	_ =	task.clear_ibuf [dreg:s7], $0x6FFFF;
	_ =	strace $0x90000046  }
0xb2: {  	s26 =	simm.s32 $0x9;
	_ =	strace $0x80000048  }
0xb3: {  	_ =	swait.ge [sflag:s26], $0x1  }
0xb4: {  	[sflag:s26] =	ssyncadd.s32 $0xFFFFFFFF  }
0xb5: {  	_ =	strace $0x90000048  }
0xb6: {  	_ =	sfence  }
0xb7: {  	s28 =	sld [smem:$0x0];
	_ =	sdelay $0x1  }
0xb8: {  	s29 =	srdreg.scid  }
0xb9: {  	s30 =	sshll.u32 s29, $0xD;
	s31 =	sshrl.u32 s29, $0x2  }
0xba: {  	s1 =	sand.u32 $0x1, s29;
	s2 =	sand.u32 $0x4000, s30;
	s0 =	sadd.s32 s31, s28  }
0xbb: {  	s1 =	sor.u32 s2, s1;
	s0 =	sshll.u32 s0, $0x11  }
0xbc: {  	s0 =	sor.u32 s0, s1  }
0xbd: {  	s0 =	sadd.s32 $0x8F2B, s0  }
0xbe: {  	[sflag:s0] =	ssyncadd.remote.s32 $0x1  }
0xbf: {  	_ =	sfence.sel $0xFFFF  }
0xc0: {  	[dreg:$0x0] =	wrdreg $0xFFFFFFFF;
	(pc) =	sbr.abs _section_cstart, $3  }
0xc1: {  	[dreg:$0x1] =	wrdreg $0xFFFFFFFF  }
0xc2: {  	_ =	task.clear_ibuf [dreg:s7], $0x2FFFF;
	_ =	strace $0x9FFFFFFF  }
0xc3: {  	(tm) =	ssettm $0x7FFFFFFF  }
tec
execute0_lowered:
.L_overlay_start_1:
0x0: {  	(tag) =	ssettag $0x1  }
0x1: {  	s3 =	rddreg [dreg:$0x0]  }
0x2: {  	s2 =	rddreg [dreg:$0x1]  }
0x3: {  	s1 =	rddreg [dreg:$0x2];
	s4 =	stileid.u32  }
0x4: {  	s0 =	rddreg [dreg:$0x3];
	_ =	strace $0x80000047;
	p0 =	sne.s32 s4, $0x0  }
0x5: {  	_ =	sfence.sel @p0 $0x180000  }
0x6: {  	[bflag:$0x0] =	sbarrier.arrive @p0 $0xFFFF  }
0x7: {  	_ =	strace @p0 $0x90000047  }
0x8: {  	[bflag:$0x2] =	sbarrier.arrive @p0 $0xFFFF  }
0x9: {  	_ =	shalt @p0  }
.LBB2_1:
0xa: {  	s4 =	simm.s32 $0x0  }
0xb: {  	[tilespmem:s4], [sflag:$0x1] =	stream.linear.gather [hbm4b:s3+s4], $0x1000, $0x38;
	[tilespmem:$0x2080] =	vst v63  }
0xc: {  	s29 =	simm.s32 $0x1000;
	s30 =	simm.s32 $0x1  }
0xd: {  	[tilespmem:s29], [sflag:$0x1] =	stream.linear.gather [hbm4b:s2+s4], $0x1000, $0x38;
	[tilespmem:$0x2080] =	vst v63  }
0xe: {  	_ =	swait.ge [sflag:s30], $0x1000  }
0xf: {  	[sflag:s30] =	ssyncset.done $0x0  }
0x10: {  	[sflag:s30] =	ssyncadd.s32 $0xFFFFF000  }
0x11: {  	_ =	swait.ge [sflag:s30], $0x1000  }
0x12: {  	[sflag:s30] =	ssyncset.done $0x0  }
0x13: {  	s31 =	simm.s32 $0x0;
	[sflag:s30] =	ssyncadd.s32 $0xFFFFF000  }
0x14: {  	v0 =	vld [tilespmem:s31+$0x30]  }
0x15: {  	v1 =	vld [tilespmem:s31+$0x1030]  }
0x16: {  	v4 =	vld [tilespmem:s31+$0x0]  }
0x17: {  	v6 =	vld [tilespmem:s31+$0x1000];
	_ =	sdelay $0x1  }
0x18: {  	v5 =	vld [tilespmem:s31+$0x10]  }
0x19: {  	v3 =	vimm.f32 $0.0e+00;
	v8 =	vimm.f32 $0.0e+00;
	v11 =	vld [tilespmem:s31+$0x1010]  }
0x1a: {  	v9 =	vimm.f32 $0.0e+00;
	v7 =	vimm.f32 $0.0e+00;
	v2 =	vld [tilespmem:s31+$0x20];
	v13 =	vsub.f32 v0, v1  }
0x1b: {  	s2 =	simm.s32 $0x40;
	v12 =	vld [tilespmem:s31+$0x1020];
	v14 =	vsub.f32 v4, v6;
	v6 =	vimm.f32 $0.0e+00;
	v4 =	vimm.f32 $0.0e+00  }
0x1c: {  	s3 =	simm.s32 $0x200;
	v10 =	vld [tilespmem:s2+$0x30];
	v1 =	vimm.f32 $0.0e+00;
	v0 =	vimm.f32 $0.0e+00;
	v15 =	vmul.f32 v13, v13  }
.LBB2_2:
0x1d: {  	p0 =	sne.s32 s3, $0x3F00;
	v16 =	vld [tilespmem:s2+$0x1030];
	v3 =	vadd.f32 v13, v3  }
0x1e: {  	v17 =	vld [tilespmem:s2+$0x0];
	v13 =	vmul.f32 v14, v14;
	v18 =	vsub.f32 v5, v11;
	v6 =	vadd.f32 v15, v6  }
0x1f: {  	v8 =	vadd.f32 v14, v8;
	v15 =	vld [tilespmem:s2+$0x1000]  }
.Ltmp0:
0x20: {  	v5 =	vld [tilespmem:s2+$0x10];
	v9 =	vadd.f32 v13, v9;
	v14 =	vmul.f32 v18, v18;
	v19 =	vsub.f32 v2, v12;
	(pc) =	sbr.rel @p0 .LBB2_2-.Ltmp0, $4  }
0x21: {  	v7 =	vadd.f32 v18, v7;
	v11 =	vld [tilespmem:s2+$0x1010]  }
0x22: {  	v2 =	vld [tilespmem:s2+$0x20];
	v13 =	vsub.f32 v10, v16;
	v4 =	vadd.f32 v14, v4;
	v16 =	vmul.f32 v19, v19  }
0x23: {  	v1 =	vadd.f32 v19, v1;
	v12 =	vld [tilespmem:s2+$0x1020];
	s2 =	sshra.s32 s3, $0x2  }
0x24: {  	s3 =	sadd.s32 $0x100, s3;
	v10 =	vld [tilespmem:s2+$0x30];
	v14 =	vsub.f32 v17, v15;
	v15 =	vmul.f32 v13, v13;
	v0 =	vadd.f32 v16, v0  }
0x25: {  	v16 =	vld [tilespmem:s2+$0x1030]  }
0x26: {  	v17 =	vld [tilespmem:s2+$0x0]  }
0x27: {  	v18 =	vld [tilespmem:s2+$0x1000]  }
0x28: {  	v19 =	vld [tilespmem:s2+$0x10]  }
0x29: {  	v20 =	vld [tilespmem:s2+$0x1010]  }
0x2a: {  	v3 =	vadd.f32 v13, v3;
	v21 =	vld [tilespmem:s2+$0x20];
	v33 =	vmul.f32 v14, v14  }
0x2b: {  	v34 =	vld [tilespmem:s2+$0x1020];
	v43 =	vimm.s32 $0xFEDCBA98;
	v5 =	vsub.f32 v5, v11;
	v6 =	vadd.f32 v15, v6  }
0x2c: {  	v44 =	vimm.s32 $0x76543210;
	v8 =	vadd.f32 v14, v8;
	v9 =	vadd.f32 v33, v9  }
0x2d: {  	v2 =	vsub.f32 v2, v12;
	v7 =	vadd.f32 v5, v7;
	v5 =	vmul.f32 v5, v5  }
0x2e: {  	v46 =	vimm.s32 $0xBA98FEDC;
	v10 =	vsub.f32 v10, v16;
	v35 =	vsub.f32 v17, v18  }
0x2f: {  	v4 =	vadd.f32 v5, v4;
	v36 =	vmul.f32 v2, v2;
	v37 =	vsub.f32 v19, v20  }
0x30: {  	v47 =	vimm.s32 $0x32107654;
	v1 =	vadd.f32 v2, v1;
	v11 =	vsub.f32 v21, v34  }
0x31: {  	v38 =	vmul.f32 v35, v35;
	v0 =	vadd.f32 v36, v0;
	v40 =	vmul.f32 v37, v37  }
0x32: {  	v39 =	vadd.f32 v35, v8;
	v7 =	vadd.f32 v37, v7;
	v41 =	vmul.f32 v11, v11  }
0x33: {  	v42 =	vmul.f32 v10, v10;
	v2 =	vadd.f32 v38, v9;
	v4 =	vadd.f32 v40, v4  }
0x34: {  	v1 =	vadd.f32 v11, v1;
	v5 =	vadd.f32 v7, v39;
	v7 =	vunpack.c.l.s4.s8 v43  }
0x35: {  	v0 =	vadd.f32 v41, v0;
	v2 =	vadd.f32 v4, v2;
	v4 =	vunpack.c.l.s4.s8 v44  }
0x36: {  	v3 =	vadd.f32 v10, v3;
	v6 =	vadd.f32 v42, v6;
	v45 =	vunpack.c.0.s8.s32 v7  }
0x37: {  	v1 =	vadd.f32 v1, v5;
	v0 =	vadd.f32 v0, v2;
	v4 =	vunpack.c.0.s8.s32 v4  }
0x38: {  	v5 =	vunpack.c.l.s4.s8 v46;
	v7 =	vunpack.c.l.s4.s8 v47;
	v2 =	vand.u32 $0xF, v45  }
0x39: {  	v1 =	vadd.f32 v3, v1;
	v0 =	vadd.f32 v6, v0;
	v2 =	vcombine.low v2, v4  }
0x3a: {  	v51 =	vimm.s32 $0xDCFE98BA;
	v48 =	vunpack.c.0.s8.s32 v5;
	v49 =	vunpack.c.0.s8.s32 v7  }
0x3b: {  	v52 =	vimm.s32 $0x54761032;
	v50 =	vperm.xlane v1, v2;
	v2 =	vperm.xlane v0, v2  }
0x3c: {  	v53 =	vunpack.c.l.s4.s8 v52;
	v3 =	vcombine.low v49, v48;
	v4 =	vunpack.c.l.s4.s8 v51  }
0x3d: {  	v55 =	vimm.s32 $0xEFCDAB89;
	v1 =	vadd.f32 v50, v1;
	v0 =	vadd.f32 v2, v0  }
0x3e: {  	v5 =	vunpack.c.0.s8.s32 v53;
	v54 =	vand.u32 $0xF, v3;
	v4 =	vunpack.c.0.s8.s32 v4  }
0x3f: {  	v56 =	vimm.s32 $0x67452301;
	v3 =	vperm.xlane v1, v54;
	v2 =	vperm.xlane v0, v54  }
0x40: {  	v57 =	vunpack.c.l.s4.s8 v55;
	v58 =	vunpack.c.l.s4.s8 v56;
	v4 =	vcombine.low v5, v4  }
0x41: {  	v1 =	vadd.f32 v3, v1;
	v0 =	vadd.f32 v2, v0  }
0x42: {  	v60 =	vunpack.c.0.s8.s32 v57;
	v61 =	vunpack.c.0.s8.s32 v58;
	v59 =	vand.u32 $0xF, v4  }
0x43: {  	v62 =	vperm.xlane v1, v59;
	v2 =	vperm.xlane v0, v59  }
0x44: {  	v3 =	vcombine.low v61, v60  }
0x45: {  	v1 =	vadd.f32 v62, v1;
	v0 =	vadd.f32 v2, v0  }
0x46: {  	v63 =	vand.u32 $0xF, v3  }
0x47: {  	v3 =	vperm.xlane v1, v63;
	v2 =	vperm.xlane v0, v63;
	_ =	sdelay $0x1  }
0x48: {  	v1 =	vadd.f32 v3, v1;
	v0 =	vadd.f32 v2, v0;
	_ =	sdelay $0x1  }
0x49: {  	v0 =	vmul.f32 $8.192000000e+03, v0;
	v1 =	vmul.f32 v1, v1;
	_ =	sdelay $0x1  }
0x4a: {  	v0 =	vsub.f32 v0, v1;
	_ =	sdelay $0x1  }
0x4b: {  	v0 =	vmul.f32 $3.973966400e-08, v0;
	_ =	sdelay $0x1  }
0x4c: {  	s30 =	simm.s32 $0x0;
	s3 =	simm.s32 $0x2000;
	s31 =	simm.s32 $0x2;
	[tilespmem:$0x2000] =	vst v0  }
0x4d: {  	[hbm4b:s1+s30] =	stream.linear.scatter [tilespmem:s3], [sflag:$0x2], $0x80, $0x38;
	[tilespmem:$0x2080] =	vst v63  }
0x4e: {  	_ =	swait.ge [sflag:s31], $0x80  }
0x4f: {  	[sflag:s31] =	ssyncset.done $0x0  }
0x50: {  	[sflag:s31] =	ssyncadd.s32 $0xFFFFFF80  }
0x51: {  	_ =	sfence.sel $0x180000  }
0x52: {  	[bflag:$0x0] =	sbarrier.arrive $0xFFFF  }
0x53: {  	_ =	strace $0x90000047  }
0x54: {  	s0 =	sadd.s32 $0x100000, s0;
	[bflag:$0x2] =	sbarrier.arrive $0xFFFF  }
0x55: {  	[sflag:s0] =	ssyncadd.tile.s32 $0x1;
	_ =	shalt  }
.Lfunc_end2:
_tile_overlayer_lowered:
.L_overlay_start_2:
0x56: {  	(tag) =	ssettag $0x2  }
0x57: {  	s0 =	rddreg [dreg:$0x0];
	s2 =	stileid.u32  }
0x58: {  	s1 =	rddreg [dreg:$0x1];
	p0 =	sne.s32 s2, $0x0  }
0x59: {  	s3 =	rddreg [dreg:$0x2];
	[bflag:$0x3] =	sbarrier.arrive $0xFFFF;
	s2 =	simm.s32 @!p0 $0x1C02  }
0x5a: {  	[timem:s3], [sflag:s2] =	dma.local @!p0 [hbm:s0], s1  }
0x5b: {  	s0 =	simm.s32 @!p0 $0x2  }
0x5c: {  	_ =	swait.ge @!p0 [sflag:s0], s1  }
0x5d: {  	s1 =	ssub.s32 @!p0 $0x0, s1;
	[sflag:s0] =	ssyncset.done @!p0 $0x0  }
0x5e: {  	[sflag:s0] =	ssyncadd.s32 @!p0 s1  }
0x5f: {  	[bflag:$0x3] =	sbarrier.arrive $0xFFFF  }
0x60: {  	_ =	shalt  }

</sc_bundles>
